<compile_context>
chip_gen: v7x
topology: tpu7x:2x2x1
jax: 0.10.2.dev20260603
libtpu: 0.0.44.dev20260713+nightly
codegen_flags: <defaults>
</compile_context>

<pallas_src>
import functools

import jax
import jax.numpy as jnp
from jax import lax
from jax.experimental import pallas as pl
from jax.experimental.pallas import tpu as pltpu
from jax.experimental.pallas import tpu_sc as plsc

T, B, C = 8192, 64, 10
SEP = 4096
L = 16
NC, NS = 2, 16
COLS_PER_TILE = B // (NC * NS)
FIT_VECS = SEP // L
ENC_VECS = T // L


def _encoder_body(y_hbm, out_hbm, y0_v, y1_v, o0_v, o1_v, sem_in, sem_out):
    wid = lax.axis_index("s") * NC + lax.axis_index("c")

    lane = lax.iota(jnp.int32, L)
    zi = jnp.zeros((L,), jnp.int32)

    def fit_column(col_v):
        @plsc.parallel_loop(0, FIT_VECS // 2, unroll=4, carry=(zi, zi))
        def acc(i, carry):
            a0, a1 = carry
            v0 = col_v[pl.ds(2 * i * L, L)].astype(jnp.int32)
            v1 = col_v[pl.ds((2 * i + 1) * L, L)].astype(jnp.int32)
            return a0 | (1 << v0), a1 | (1 << v1)

        m = acc[0] | acc[1]
        for k in (8, 4, 2, 1):
            m = m | m.at[lane ^ k].get(mode="promise_in_bounds")

        present = ((m >> lane) & 1).astype(jnp.float32)
        return plsc.cumsum(present) - present

    def encode_column(col_v, dst_v, prefix):
        @plsc.parallel_loop(0, ENC_VECS, unroll=4)
        def _enc_vec(i):
            yv = col_v[pl.ds(i * L, L)]
            dst_v[pl.ds(i * L, L)] = prefix.at[yv.astype(jnp.int32)].get(
                mode="promise_in_bounds")

    base0 = wid * COLS_PER_TILE * T
    in0a = pltpu.async_copy(
        y_hbm.at[pl.ds(base0, SEP)], y0_v.at[pl.ds(0, SEP)], sem_in)
    in0b = pltpu.async_copy(
        y_hbm.at[pl.ds(base0 + SEP, T - SEP)],
        y0_v.at[pl.ds(SEP, T - SEP)], sem_in)
    in1 = pltpu.async_copy(y_hbm.at[pl.ds(base0 + T, T)], y1_v, sem_in)
    in0a.wait()
    prefix0 = fit_column(y0_v)
    in0b.wait()
    encode_column(y0_v, o0_v, prefix0)
    out0 = pltpu.async_copy(o0_v, out_hbm.at[pl.ds(base0, T)], sem_out)
    in1.wait()
    prefix1 = fit_column(y1_v)
    encode_column(y1_v, o1_v, prefix1)
    out1 = pltpu.async_copy(o1_v, out_hbm.at[pl.ds(base0 + T, T)], sem_out)
    out0.wait()
    out1.wait()


_encoder = functools.partial(
    pl.kernel,
    out_type=jax.ShapeDtypeStruct((T * B,), jnp.float32),
    mesh=plsc.VectorSubcoreMesh(core_axis_name="c", subcore_axis_name="s"),
    compiler_params=pltpu.CompilerParams(needs_layout_passes=False),
    scratch_types=[
        pltpu.VMEM((T,), jnp.float32),
        pltpu.VMEM((T,), jnp.float32),
        pltpu.VMEM((T,), jnp.float32),
        pltpu.VMEM((T,), jnp.float32),
        pltpu.SemaphoreType.DMA,
        pltpu.SemaphoreType.DMA,
    ],
)(_encoder_body)


def kernel(y, single_eval_pos):
    del single_eval_pos
    y_cols = jnp.transpose(y, (1, 2, 0)).reshape(B * T)
    out_cols = _encoder(y_cols)
    return jnp.transpose(out_cols.reshape(B, 1, T), (2, 0, 1))

# --- scband reference (transcript-rebuilt; emitter-appended) ---
"""Pipeline reference for scband-multiclass-classification-target-encoder-37211596653017 (READ-ONLY COPY).

The authoritative reference and input builder live on the scoring server;
editing this copy changes nothing except your own understanding.
"""

import jax, jax.numpy as jnp
import numpy as np

T, B, C = 8192, 64, 10
SEP = 4096


def setup_inputs(seed: int = 0) -> dict:
    key = jax.random.key(seed)
    y = jax.random.randint(key, (T, B, 1), 0, C).astype(jnp.float32)
    return {"y": y, "single_eval_pos": SEP}


def _flatten_targets(y_col, unique_ys):
    # y_col: [T, 1]; unique_ys: [C]
    # (y.unsqueeze(-1) > unique_ys).sum(axis=-1)
    return (y_col[..., None] > unique_ys).sum(axis=-1)


def reference(y, single_eval_pos):
    # _fit: per batch column, unique labels over the training slice
    # _transform: rank-encode every element against that column's unique labels
    train_mask = jnp.arange(y.shape[0]) < single_eval_pos
    cols = []
    for b in range(y.shape[1]):
        col = jnp.where(train_mask, y[:, b, 0], jnp.inf)
        u = jnp.unique(col, size=C, fill_value=jnp.inf)
        cols.append(_flatten_targets(y[:, b, :], u))
    y_new = jnp.stack(cols, axis=1).astype(y.dtype)  # [T, B, 1]
    return y_new

if __name__ == "__main__":
    import jax
    _d = setup_inputs()
    print(jax.jit(kernel)(*tuple(_d.values())))

</pallas_src>

<mosaic_0001>
#map = affine_map<(d0, d1) -> (0)>
module attributes {stable_mosaic.version = 14 : i64} {
  func.func @_encoder_body(%arg0: i32, %arg1: i32, %arg2: memref<524288xf32, #tpu.memory_space<hbm>>, %arg3: memref<524288xf32, #tpu.memory_space<hbm>>, %arg4: memref<8192xf32, #tpu.memory_space<vmem>>, %arg5: memref<8192xf32, #tpu.memory_space<vmem>>, %arg6: memref<8192xf32, #tpu.memory_space<vmem>>, %arg7: memref<8192xf32, #tpu.memory_space<vmem>>, %arg8: memref<!tpu.dma_semaphore, #tpu.memory_space<semaphore_mem>>, %arg9: memref<!tpu.dma_semaphore, #tpu.memory_space<semaphore_mem>>) attributes {dimension_semantics = [#tpu.dimension_semantics<core_parallel>, #tpu.dimension_semantics<subcore_parallel>], iteration_bounds = array<i64: 2, 16>, scalar_prefetch = 0 : i64, scratch_operands = 6 : i64, tpu.core_type = #tpu.core_type<sc_vector_subcore>, window_params = [{transform_indices = #map}, {transform_indices = #map}]} {
    %mul3A = arith.constant 2 : i32
    %mul3A_0 = arith.muli %arg1, %mul3A : i32
    %add3A = arith.addi %mul3A_0, %arg0 : i32
    %iota3A = tpu.iota {dimensions = array<i32: 0>} : vector<16xi32>
    %broadcast_in_dim3A = arith.constant 0 : i32
    %broadcast_in_dim3A_1 = vector.broadcast %broadcast_in_dim3A : i32 to vector<16xi32>
    %mul3A_2 = arith.constant 2 : i32
    %mul3A_3 = arith.muli %add3A, %mul3A_2 : i32
    %mul3A_4 = arith.constant 8192 : i32
    %mul3A_5 = arith.muli %mul3A_3, %mul3A_4 : i32
    %dma_start3A = arith.constant 0 : i32
    %dma_start3A_6 = tpu.memref_slice %arg4[%dma_start3A] : memref<8192xf32, #tpu.memory_space<vmem>> -> memref<4096xf32, #tpu.memory_space<vmem>>
    %dma_start3A_7 = tpu.memref_slice %arg2[%mul3A_5] : memref<524288xf32, #tpu.memory_space<hbm>> -> memref<4096xf32, #tpu.memory_space<hbm>>
    %dma_start3A_8 = arith.constant 0 : i32
    %dma_start3A_9 = tpu.memref_slice %arg4[%dma_start3A_8] : memref<8192xf32, #tpu.memory_space<vmem>> -> memref<4096xf32, #tpu.memory_space<vmem>>
    %dma_start3A_10 = tpu.memref_slice %arg2[%mul3A_5] : memref<524288xf32, #tpu.memory_space<hbm>> -> memref<4096xf32, #tpu.memory_space<hbm>>
    tpu.enqueue_dma source(%dma_start3A_10 : memref<4096xf32, #tpu.memory_space<hbm>>) target(%dma_start3A_9 : memref<4096xf32, #tpu.memory_space<vmem>>) target_semaphore(%arg8 : memref<!tpu.dma_semaphore, #tpu.memory_space<semaphore_mem>>)
    %add3A_11 = arith.constant 4096 : i32
    %add3A_12 = arith.addi %mul3A_5, %add3A_11 : i32
    %dma_start3A_13 = arith.constant 4096 : i32
    %dma_start3A_14 = tpu.memref_slice %arg4[%dma_start3A_13] : memref<8192xf32, #tpu.memory_space<vmem>> -> memref<4096xf32, #tpu.memory_space<vmem>>
    %dma_start3A_15 = tpu.memref_slice %arg2[%add3A_12] : memref<524288xf32, #tpu.memory_space<hbm>> -> memref<4096xf32, #tpu.memory_space<hbm>>
    %dma_start3A_16 = arith.constant 4096 : i32
    %dma_start3A_17 = tpu.memref_slice %arg4[%dma_start3A_16] : memref<8192xf32, #tpu.memory_space<vmem>> -> memref<4096xf32, #tpu.memory_space<vmem>>
    %dma_start3A_18 = tpu.memref_slice %arg2[%add3A_12] : memref<524288xf32, #tpu.memory_space<hbm>> -> memref<4096xf32, #tpu.memory_space<hbm>>
    tpu.enqueue_dma source(%dma_start3A_18 : memref<4096xf32, #tpu.memory_space<hbm>>) target(%dma_start3A_17 : memref<4096xf32, #tpu.memory_space<vmem>>) target_semaphore(%arg8 : memref<!tpu.dma_semaphore, #tpu.memory_space<semaphore_mem>>)
    %add3A_19 = arith.constant 8192 : i32
    %add3A_20 = arith.addi %mul3A_5, %add3A_19 : i32
    %dma_start3A_21 = tpu.memref_slice %arg2[%add3A_20] : memref<524288xf32, #tpu.memory_space<hbm>> -> memref<8192xf32, #tpu.memory_space<hbm>>
    %dma_start3A_22 = tpu.memref_slice %arg2[%add3A_20] : memref<524288xf32, #tpu.memory_space<hbm>> -> memref<8192xf32, #tpu.memory_space<hbm>>
    tpu.enqueue_dma source(%dma_start3A_22 : memref<8192xf32, #tpu.memory_space<hbm>>) target(%arg5 : memref<8192xf32, #tpu.memory_space<vmem>>) target_semaphore(%arg8 : memref<!tpu.dma_semaphore, #tpu.memory_space<semaphore_mem>>)
    %dma_wait3A = arith.constant 0 : i32
    %dma_wait3A_23 = tpu.memref_slice %arg4[%dma_wait3A] : memref<8192xf32, #tpu.memory_space<vmem>> -> memref<4096xf32, #tpu.memory_space<vmem>>
    %dma_wait3A_24 = tpu.memref_slice %arg2[%mul3A_5] : memref<524288xf32, #tpu.memory_space<hbm>> -> memref<4096xf32, #tpu.memory_space<hbm>>
    %dma_wait3A_25 = arith.constant 0 : i32
    %dma_wait3A_26 = tpu.memref_slice %arg4[%dma_wait3A_25] : memref<8192xf32, #tpu.memory_space<vmem>> -> memref<4096xf32, #tpu.memory_space<vmem>>
    %dma_wait3A_27 = tpu.memref_slice %arg2[%mul3A_5] : memref<524288xf32, #tpu.memory_space<hbm>> -> memref<4096xf32, #tpu.memory_space<hbm>>
    tpu.wait_dma2 semaphore(%arg8 : memref<!tpu.dma_semaphore, #tpu.memory_space<semaphore_mem>>) src(%dma_wait3A_27 : memref<4096xf32, #tpu.memory_space<hbm>>) dst(%dma_wait3A_26 : memref<4096xf32, #tpu.memory_space<vmem>>)
    %parallel_loop3A = arith.constant 0 : i32
    %parallel_loop3A_28 = arith.constant 128 : i32
    %parallel_loop3A_29 = arith.constant 1 : i32
    %parallel_loop3A_30:2 = scf.for %parallel_loop3A_181 = %parallel_loop3A to %parallel_loop3A_28 step %parallel_loop3A_29 iter_args(%parallel_loop3A_182 = %broadcast_in_dim3A_1, %parallel_loop3A_183 = %broadcast_in_dim3A_1) -> (vector<16xi32>, vector<16xi32>)  : i32 {
      %parallel_loop3A_184 = arith.constant 2 : i32
      %parallel_loop3A_185 = arith.muli %parallel_loop3A_184, %parallel_loop3A_181 : i32
      %parallel_loop3A_186 = arith.constant 16 : i32
      %parallel_loop3A_187 = arith.muli %parallel_loop3A_185, %parallel_loop3A_186 : i32
      %parallel_loop3A_188 = arith.index_cast %parallel_loop3A_187 : i32 to index
      %parallel_loop3A_189 = tpu.vector_load %arg4[%parallel_loop3A_188] {strides = array<i32>} : memref<8192xf32, #tpu.memory_space<vmem>>, vector<16xf32>,
      %parallel_loop3A_190 = arith.fptosi %parallel_loop3A_189 : vector<16xf32> to vector<16xi32>
      %parallel_loop3A_191 = arith.constant 2 : i32
      %parallel_loop3A_192 = arith.muli %parallel_loop3A_191, %parallel_loop3A_181 : i32
      %parallel_loop3A_193 = arith.constant 1 : i32
      %parallel_loop3A_194 = arith.addi %parallel_loop3A_192, %parallel_loop3A_193 : i32
      %parallel_loop3A_195 = arith.constant 16 : i32
      %parallel_loop3A_196 = arith.muli %parallel_loop3A_194, %parallel_loop3A_195 : i32
      %parallel_loop3A_197 = arith.index_cast %parallel_loop3A_196 : i32 to index
      %parallel_loop3A_198 = tpu.vector_load %arg4[%parallel_loop3A_197] {strides = array<i32>} : memref<8192xf32, #tpu.memory_space<vmem>>, vector<16xf32>,
      %parallel_loop3A_199 = arith.fptosi %parallel_loop3A_198 : vector<16xf32> to vector<16xi32>
      %parallel_loop3A_200 = arith.constant 1 : i32
      %parallel_loop3A_201 = vector.broadcast %parallel_loop3A_200 : i32 to vector<16xi32>
      %parallel_loop3A_202 = arith.shli %parallel_loop3A_201, %parallel_loop3A_190 : vector<16xi32>
      %parallel_loop3A_203 = arith.ori %parallel_loop3A_182, %parallel_loop3A_202 : vector<16xi32>
      %parallel_loop3A_204 = arith.constant 1 : i32
      %parallel_loop3A_205 = vector.broadcast %parallel_loop3A_204 : i32 to vector<16xi32>
      %parallel_loop3A_206 = arith.shli %parallel_loop3A_205, %parallel_loop3A_199 : vector<16xi32>
      %parallel_loop3A_207 = arith.ori %parallel_loop3A_183, %parallel_loop3A_206 : vector<16xi32>
      scf.yield %parallel_loop3A_203, %parallel_loop3A_207 : vector<16xi32>, vector<16xi32>
    } {sc.loop_unroll_factor = 4 : i64, sc.parallel_access}
    %or3A = arith.ori %parallel_loop3A_30#0, %parallel_loop3A_30#1 : vector<16xi32>
    %xor3A = arith.constant 8 : i32
    %xor3A_31 = vector.broadcast %xor3A : i32 to vector<16xi32>
    %xor3A_32 = arith.xori %iota3A, %xor3A_31 : vector<16xi32>
    %lt3A = arith.constant 0 : i32
    %lt3A_33 = vector.broadcast %lt3A : i32 to vector<16xi32>
    %lt3A_34 = arith.cmpi slt, %xor3A_32, %lt3A_33 : vector<16xi32>
    %add3A_35 = arith.constant 16 : i32
    %add3A_36 = vector.broadcast %add3A_35 : i32 to vector<16xi32>
    %add3A_37 = arith.addi %xor3A_32, %add3A_36 : vector<16xi32>
    %select_n3A = arith.select %lt3A_34, %add3A_37, %xor3A_32 : vector<16xi1>, vector<16xi32>
    %broadcast_in_dim3A_38 = vector.shape_cast %select_n3A : vector<16xi32> to vector<16x1xi32>
    %gather3A = vector.shape_cast %broadcast_in_dim3A_38 : vector<16x1xi32> to vector<16xi32>
    %gather3A_39 = tpu.dynamic_gather %or3A[%gather3A] in [0] : vector<16xi32>, vector<16xi32> -> vector<16xi32>
    %or3A_40 = arith.ori %or3A, %gather3A_39 : vector<16xi32>
    %xor3A_41 = arith.constant 4 : i32
    %xor3A_42 = vector.broadcast %xor3A_41 : i32 to vector<16xi32>
    %xor3A_43 = arith.xori %iota3A, %xor3A_42 : vector<16xi32>
    %lt3A_44 = arith.constant 0 : i32
    %lt3A_45 = vector.broadcast %lt3A_44 : i32 to vector<16xi32>
    %lt3A_46 = arith.cmpi slt, %xor3A_43, %lt3A_45 : vector<16xi32>
    %add3A_47 = arith.constant 16 : i32
    %add3A_48 = vector.broadcast %add3A_47 : i32 to vector<16xi32>
    %add3A_49 = arith.addi %xor3A_43, %add3A_48 : vector<16xi32>
    %select_n3A_50 = arith.select %lt3A_46, %add3A_49, %xor3A_43 : vector<16xi1>, vector<16xi32>
    %broadcast_in_dim3A_51 = vector.shape_cast %select_n3A_50 : vector<16xi32> to vector<16x1xi32>
    %gather3A_52 = vector.shape_cast %broadcast_in_dim3A_51 : vector<16x1xi32> to vector<16xi32>
    %gather3A_53 = tpu.dynamic_gather %or3A_40[%gather3A_52] in [0] : vector<16xi32>, vector<16xi32> -> vector<16xi32>
    %or3A_54 = arith.ori %or3A_40, %gather3A_53 : vector<16xi32>
    %xor3A_55 = arith.constant 2 : i32
    %xor3A_56 = vector.broadcast %xor3A_55 : i32 to vector<16xi32>
    %xor3A_57 = arith.xori %iota3A, %xor3A_56 : vector<16xi32>
    %lt3A_58 = arith.constant 0 : i32
    %lt3A_59 = vector.broadcast %lt3A_58 : i32 to vector<16xi32>
    %lt3A_60 = arith.cmpi slt, %xor3A_57, %lt3A_59 : vector<16xi32>
    %add3A_61 = arith.constant 16 : i32
    %add3A_62 = vector.broadcast %add3A_61 : i32 to vector<16xi32>
    %add3A_63 = arith.addi %xor3A_57, %add3A_62 : vector<16xi32>
    %select_n3A_64 = arith.select %lt3A_60, %add3A_63, %xor3A_57 : vector<16xi1>, vector<16xi32>
    %broadcast_in_dim3A_65 = vector.shape_cast %select_n3A_64 : vector<16xi32> to vector<16x1xi32>
    %gather3A_66 = vector.shape_cast %broadcast_in_dim3A_65 : vector<16x1xi32> to vector<16xi32>
    %gather3A_67 = tpu.dynamic_gather %or3A_54[%gather3A_66] in [0] : vector<16xi32>, vector<16xi32> -> vector<16xi32>
    %or3A_68 = arith.ori %or3A_54, %gather3A_67 : vector<16xi32>
    %xor3A_69 = arith.constant 1 : i32
    %xor3A_70 = vector.broadcast %xor3A_69 : i32 to vector<16xi32>
    %xor3A_71 = arith.xori %iota3A, %xor3A_70 : vector<16xi32>
    %lt3A_72 = arith.constant 0 : i32
    %lt3A_73 = vector.broadcast %lt3A_72 : i32 to vector<16xi32>
    %lt3A_74 = arith.cmpi slt, %xor3A_71, %lt3A_73 : vector<16xi32>
    %add3A_75 = arith.constant 16 : i32
    %add3A_76 = vector.broadcast %add3A_75 : i32 to vector<16xi32>
    %add3A_77 = arith.addi %xor3A_71, %add3A_76 : vector<16xi32>
    %select_n3A_78 = arith.select %lt3A_74, %add3A_77, %xor3A_71 : vector<16xi1>, vector<16xi32>
    %broadcast_in_dim3A_79 = vector.shape_cast %select_n3A_78 : vector<16xi32> to vector<16x1xi32>
    %gather3A_80 = vector.shape_cast %broadcast_in_dim3A_79 : vector<16x1xi32> to vector<16xi32>
    %gather3A_81 = tpu.dynamic_gather %or3A_68[%gather3A_80] in [0] : vector<16xi32>, vector<16xi32> -> vector<16xi32>
    %or3A_82 = arith.ori %or3A_68, %gather3A_81 : vector<16xi32>
    %shift_right_arithmetic3A = arith.shrsi %or3A_82, %iota3A : vector<16xi32>
    %and3A = arith.constant 1 : i32
    %and3A_83 = vector.broadcast %and3A : i32 to vector<16xi32>
    %and3A_84 = arith.andi %shift_right_arithmetic3A, %and3A_83 : vector<16xi32>
    %convert_element_type3A = arith.sitofp %and3A_84 : vector<16xi32> to vector<16xf32>
    %broadcast_in_dim3A_85 = arith.constant true
    %broadcast_in_dim3A_86 = vector.broadcast %broadcast_in_dim3A_85 : i1 to vector<16xi1>
    %masked_cumsum3A = tpu.scan <sum>, %convert_element_type3A masked %broadcast_in_dim3A_86 : vector<16xf32>, vector<16xi1> -> vector<16xf32>
    %sub3A = arith.subf %masked_cumsum3A, %convert_element_type3A : vector<16xf32>
    %dma_wait3A_87 = arith.constant 4096 : i32
    %dma_wait3A_88 = tpu.memref_slice %arg4[%dma_wait3A_87] : memref<8192xf32, #tpu.memory_space<vmem>> -> memref<4096xf32, #tpu.memory_space<vmem>>
    %dma_wait3A_89 = tpu.memref_slice %arg2[%add3A_12] : memref<524288xf32, #tpu.memory_space<hbm>> -> memref<4096xf32, #tpu.memory_space<hbm>>
    %dma_wait3A_90 = arith.constant 4096 : i32
    %dma_wait3A_91 = tpu.memref_slice %arg4[%dma_wait3A_90] : memref<8192xf32, #tpu.memory_space<vmem>> -> memref<4096xf32, #tpu.memory_space<vmem>>
    %dma_wait3A_92 = tpu.memref_slice %arg2[%add3A_12] : memref<524288xf32, #tpu.memory_space<hbm>> -> memref<4096xf32, #tpu.memory_space<hbm>>
    tpu.wait_dma2 semaphore(%arg8 : memref<!tpu.dma_semaphore, #tpu.memory_space<semaphore_mem>>) src(%dma_wait3A_92 : memref<4096xf32, #tpu.memory_space<hbm>>) dst(%dma_wait3A_91 : memref<4096xf32, #tpu.memory_space<vmem>>)
    %parallel_loop3A_93 = arith.constant 0 : i32
    %parallel_loop3A_94 = arith.constant 512 : i32
    %parallel_loop3A_95 = arith.constant 1 : i32
    scf.for %parallel_loop3A_181 = %parallel_loop3A_93 to %parallel_loop3A_94 step %parallel_loop3A_95  : i32 {
      %parallel_loop3A_182 = arith.constant 16 : i32
      %parallel_loop3A_183 = arith.muli %parallel_loop3A_181, %parallel_loop3A_182 : i32
      %parallel_loop3A_184 = arith.index_cast %parallel_loop3A_183 : i32 to index
      %parallel_loop3A_185 = tpu.vector_load %arg4[%parallel_loop3A_184] {strides = array<i32>} : memref<8192xf32, #tpu.memory_space<vmem>>, vector<16xf32>,
      %parallel_loop3A_186 = arith.fptosi %parallel_loop3A_185 : vector<16xf32> to vector<16xi32>
      %parallel_loop3A_187 = arith.constant 0 : i32
      %parallel_loop3A_188 = vector.broadcast %parallel_loop3A_187 : i32 to vector<16xi32>
      %parallel_loop3A_189 = arith.cmpi slt, %parallel_loop3A_186, %parallel_loop3A_188 : vector<16xi32>
      %parallel_loop3A_190 = arith.constant 16 : i32
      %parallel_loop3A_191 = vector.broadcast %parallel_loop3A_190 : i32 to vector<16xi32>
      %parallel_loop3A_192 = arith.addi %parallel_loop3A_186, %parallel_loop3A_191 : vector<16xi32>
      %parallel_loop3A_193 = arith.select %parallel_loop3A_189, %parallel_loop3A_192, %parallel_loop3A_186 : vector<16xi1>, vector<16xi32>
      %parallel_loop3A_194 = vector.shape_cast %parallel_loop3A_193 : vector<16xi32> to vector<16x1xi32>
      %parallel_loop3A_195 = vector.shape_cast %parallel_loop3A_194 : vector<16x1xi32> to vector<16xi32>
      %parallel_loop3A_196 = tpu.dynamic_gather %sub3A[%parallel_loop3A_195] in [0] : vector<16xf32>, vector<16xi32> -> vector<16xf32>
      %parallel_loop3A_197 = arith.constant 16 : i32
      %parallel_loop3A_198 = arith.muli %parallel_loop3A_181, %parallel_loop3A_197 : i32
      %parallel_loop3A_199 = arith.index_cast %parallel_loop3A_198 : i32 to index
      %parallel_loop3A_200 = tpu.vector_load %arg6[%parallel_loop3A_199] {strides = array<i32>} : memref<8192xf32, #tpu.memory_space<vmem>>, vector<16xf32>,
      tpu.vector_store %arg6[%parallel_loop3A_199], %parallel_loop3A_196 {strides = array<i32>} : memref<8192xf32, #tpu.memory_space<vmem>>, vector<16xf32>,
    } {sc.loop_unroll_factor = 4 : i64, sc.parallel_access}
    %dma_start3A_96 = tpu.memref_slice %arg3[%mul3A_5] : memref<524288xf32, #tpu.memory_space<hbm>> -> memref<8192xf32, #tpu.memory_space<hbm>>
    %dma_start3A_97 = tpu.memref_slice %arg3[%mul3A_5] : memref<524288xf32, #tpu.memory_space<hbm>> -> memref<8192xf32, #tpu.memory_space<hbm>>
    tpu.enqueue_dma source(%arg6 : memref<8192xf32, #tpu.memory_space<vmem>>) target(%dma_start3A_97 : memref<8192xf32, #tpu.memory_space<hbm>>) target_semaphore(%arg9 : memref<!tpu.dma_semaphore, #tpu.memory_space<semaphore_mem>>)
    %dma_wait3A_98 = tpu.memref_slice %arg2[%add3A_20] : memref<524288xf32, #tpu.memory_space<hbm>> -> memref<8192xf32, #tpu.memory_space<hbm>>
    %dma_wait3A_99 = tpu.memref_slice %arg2[%add3A_20] : memref<524288xf32, #tpu.memory_space<hbm>> -> memref<8192xf32, #tpu.memory_space<hbm>>
    tpu.wait_dma2 semaphore(%arg8 : memref<!tpu.dma_semaphore, #tpu.memory_space<semaphore_mem>>) src(%dma_wait3A_99 : memref<8192xf32, #tpu.memory_space<hbm>>) dst(%arg5 : memref<8192xf32, #tpu.memory_space<vmem>>)
    %parallel_loop3A_100 = arith.constant 0 : i32
    %parallel_loop3A_101 = arith.constant 128 : i32
    %parallel_loop3A_102 = arith.constant 1 : i32
    %parallel_loop3A_103:2 = scf.for %parallel_loop3A_181 = %parallel_loop3A_100 to %parallel_loop3A_101 step %parallel_loop3A_102 iter_args(%parallel_loop3A_182 = %broadcast_in_dim3A_1, %parallel_loop3A_183 = %broadcast_in_dim3A_1) -> (vector<16xi32>, vector<16xi32>)  : i32 {
      %parallel_loop3A_184 = arith.constant 2 : i32
      %parallel_loop3A_185 = arith.muli %parallel_loop3A_184, %parallel_loop3A_181 : i32
      %parallel_loop3A_186 = arith.constant 16 : i32
      %parallel_loop3A_187 = arith.muli %parallel_loop3A_185, %parallel_loop3A_186 : i32
      %parallel_loop3A_188 = arith.index_cast %parallel_loop3A_187 : i32 to index
      %parallel_loop3A_189 = tpu.vector_load %arg5[%parallel_loop3A_188] {strides = array<i32>} : memref<8192xf32, #tpu.memory_space<vmem>>, vector<16xf32>,
      %parallel_loop3A_190 = arith.fptosi %parallel_loop3A_189 : vector<16xf32> to vector<16xi32>
      %parallel_loop3A_191 = arith.constant 2 : i32
      %parallel_loop3A_192 = arith.muli %parallel_loop3A_191, %parallel_loop3A_181 : i32
      %parallel_loop3A_193 = arith.constant 1 : i32
      %parallel_loop3A_194 = arith.addi %parallel_loop3A_192, %parallel_loop3A_193 : i32
      %parallel_loop3A_195 = arith.constant 16 : i32
      %parallel_loop3A_196 = arith.muli %parallel_loop3A_194, %parallel_loop3A_195 : i32
      %parallel_loop3A_197 = arith.index_cast %parallel_loop3A_196 : i32 to index
      %parallel_loop3A_198 = tpu.vector_load %arg5[%parallel_loop3A_197] {strides = array<i32>} : memref<8192xf32, #tpu.memory_space<vmem>>, vector<16xf32>,
      %parallel_loop3A_199 = arith.fptosi %parallel_loop3A_198 : vector<16xf32> to vector<16xi32>
      %parallel_loop3A_200 = arith.constant 1 : i32
      %parallel_loop3A_201 = vector.broadcast %parallel_loop3A_200 : i32 to vector<16xi32>
      %parallel_loop3A_202 = arith.shli %parallel_loop3A_201, %parallel_loop3A_190 : vector<16xi32>
      %parallel_loop3A_203 = arith.ori %parallel_loop3A_182, %parallel_loop3A_202 : vector<16xi32>
      %parallel_loop3A_204 = arith.constant 1 : i32
      %parallel_loop3A_205 = vector.broadcast %parallel_loop3A_204 : i32 to vector<16xi32>
      %parallel_loop3A_206 = arith.shli %parallel_loop3A_205, %parallel_loop3A_199 : vector<16xi32>
      %parallel_loop3A_207 = arith.ori %parallel_loop3A_183, %parallel_loop3A_206 : vector<16xi32>
      scf.yield %parallel_loop3A_203, %parallel_loop3A_207 : vector<16xi32>, vector<16xi32>
    } {sc.loop_unroll_factor = 4 : i64, sc.parallel_access}
    %or3A_104 = arith.ori %parallel_loop3A_103#0, %parallel_loop3A_103#1 : vector<16xi32>
    %xor3A_105 = arith.constant 8 : i32
    %xor3A_106 = vector.broadcast %xor3A_105 : i32 to vector<16xi32>
    %xor3A_107 = arith.xori %iota3A, %xor3A_106 : vector<16xi32>
    %lt3A_108 = arith.constant 0 : i32
    %lt3A_109 = vector.broadcast %lt3A_108 : i32 to vector<16xi32>
    %lt3A_110 = arith.cmpi slt, %xor3A_107, %lt3A_109 : vector<16xi32>
    %add3A_111 = arith.constant 16 : i32
    %add3A_112 = vector.broadcast %add3A_111 : i32 to vector<16xi32>
    %add3A_113 = arith.addi %xor3A_107, %add3A_112 : vector<16xi32>
    %select_n3A_114 = arith.select %lt3A_110, %add3A_113, %xor3A_107 : vector<16xi1>, vector<16xi32>
    %broadcast_in_dim3A_115 = vector.shape_cast %select_n3A_114 : vector<16xi32> to vector<16x1xi32>
    %gather3A_116 = vector.shape_cast %broadcast_in_dim3A_115 : vector<16x1xi32> to vector<16xi32>
    %gather3A_117 = tpu.dynamic_gather %or3A_104[%gather3A_116] in [0] : vector<16xi32>, vector<16xi32> -> vector<16xi32>
    %or3A_118 = arith.ori %or3A_104, %gather3A_117 : vector<16xi32>
    %xor3A_119 = arith.constant 4 : i32
    %xor3A_120 = vector.broadcast %xor3A_119 : i32 to vector<16xi32>
    %xor3A_121 = arith.xori %iota3A, %xor3A_120 : vector<16xi32>
    %lt3A_122 = arith.constant 0 : i32
    %lt3A_123 = vector.broadcast %lt3A_122 : i32 to vector<16xi32>
    %lt3A_124 = arith.cmpi slt, %xor3A_121, %lt3A_123 : vector<16xi32>
    %add3A_125 = arith.constant 16 : i32
    %add3A_126 = vector.broadcast %add3A_125 : i32 to vector<16xi32>
    %add3A_127 = arith.addi %xor3A_121, %add3A_126 : vector<16xi32>
    %select_n3A_128 = arith.select %lt3A_124, %add3A_127, %xor3A_121 : vector<16xi1>, vector<16xi32>
    %broadcast_in_dim3A_129 = vector.shape_cast %select_n3A_128 : vector<16xi32> to vector<16x1xi32>
    %gather3A_130 = vector.shape_cast %broadcast_in_dim3A_129 : vector<16x1xi32> to vector<16xi32>
    %gather3A_131 = tpu.dynamic_gather %or3A_118[%gather3A_130] in [0] : vector<16xi32>, vector<16xi32> -> vector<16xi32>
    %or3A_132 = arith.ori %or3A_118, %gather3A_131 : vector<16xi32>
    %xor3A_133 = arith.constant 2 : i32
    %xor3A_134 = vector.broadcast %xor3A_133 : i32 to vector<16xi32>
    %xor3A_135 = arith.xori %iota3A, %xor3A_134 : vector<16xi32>
    %lt3A_136 = arith.constant 0 : i32
    %lt3A_137 = vector.broadcast %lt3A_136 : i32 to vector<16xi32>
    %lt3A_138 = arith.cmpi slt, %xor3A_135, %lt3A_137 : vector<16xi32>
    %add3A_139 = arith.constant 16 : i32
    %add3A_140 = vector.broadcast %add3A_139 : i32 to vector<16xi32>
    %add3A_141 = arith.addi %xor3A_135, %add3A_140 : vector<16xi32>
    %select_n3A_142 = arith.select %lt3A_138, %add3A_141, %xor3A_135 : vector<16xi1>, vector<16xi32>
    %broadcast_in_dim3A_143 = vector.shape_cast %select_n3A_142 : vector<16xi32> to vector<16x1xi32>
    %gather3A_144 = vector.shape_cast %broadcast_in_dim3A_143 : vector<16x1xi32> to vector<16xi32>
    %gather3A_145 = tpu.dynamic_gather %or3A_132[%gather3A_144] in [0] : vector<16xi32>, vector<16xi32> -> vector<16xi32>
    %or3A_146 = arith.ori %or3A_132, %gather3A_145 : vector<16xi32>
    %xor3A_147 = arith.constant 1 : i32
    %xor3A_148 = vector.broadcast %xor3A_147 : i32 to vector<16xi32>
    %xor3A_149 = arith.xori %iota3A, %xor3A_148 : vector<16xi32>
    %lt3A_150 = arith.constant 0 : i32
    %lt3A_151 = vector.broadcast %lt3A_150 : i32 to vector<16xi32>
    %lt3A_152 = arith.cmpi slt, %xor3A_149, %lt3A_151 : vector<16xi32>
    %add3A_153 = arith.constant 16 : i32
    %add3A_154 = vector.broadcast %add3A_153 : i32 to vector<16xi32>
    %add3A_155 = arith.addi %xor3A_149, %add3A_154 : vector<16xi32>
    %select_n3A_156 = arith.select %lt3A_152, %add3A_155, %xor3A_149 : vector<16xi1>, vector<16xi32>
    %broadcast_in_dim3A_157 = vector.shape_cast %select_n3A_156 : vector<16xi32> to vector<16x1xi32>
    %gather3A_158 = vector.shape_cast %broadcast_in_dim3A_157 : vector<16x1xi32> to vector<16xi32>
    %gather3A_159 = tpu.dynamic_gather %or3A_146[%gather3A_158] in [0] : vector<16xi32>, vector<16xi32> -> vector<16xi32>
    %or3A_160 = arith.ori %or3A_146, %gather3A_159 : vector<16xi32>
    %shift_right_arithmetic3A_161 = arith.shrsi %or3A_160, %iota3A : vector<16xi32>
    %and3A_162 = arith.constant 1 : i32
    %and3A_163 = vector.broadcast %and3A_162 : i32 to vector<16xi32>
    %and3A_164 = arith.andi %shift_right_arithmetic3A_161, %and3A_163 : vector<16xi32>
    %convert_element_type3A_165 = arith.sitofp %and3A_164 : vector<16xi32> to vector<16xf32>
    %broadcast_in_dim3A_166 = arith.constant true
    %broadcast_in_dim3A_167 = vector.broadcast %broadcast_in_dim3A_166 : i1 to vector<16xi1>
    %masked_cumsum3A_168 = tpu.scan <sum>, %convert_element_type3A_165 masked %broadcast_in_dim3A_167 : vector<16xf32>, vector<16xi1> -> vector<16xf32>
    %sub3A_169 = arith.subf %masked_cumsum3A_168, %convert_element_type3A_165 : vector<16xf32>
    %parallel_loop3A_170 = arith.constant 0 : i32
    %parallel_loop3A_171 = arith.constant 512 : i32
    %parallel_loop3A_172 = arith.constant 1 : i32
    scf.for %parallel_loop3A_181 = %parallel_loop3A_170 to %parallel_loop3A_171 step %parallel_loop3A_172  : i32 {
      %parallel_loop3A_182 = arith.constant 16 : i32
      %parallel_loop3A_183 = arith.muli %parallel_loop3A_181, %parallel_loop3A_182 : i32
      %parallel_loop3A_184 = arith.index_cast %parallel_loop3A_183 : i32 to index
      %parallel_loop3A_185 = tpu.vector_load %arg5[%parallel_loop3A_184] {strides = array<i32>} : memref<8192xf32, #tpu.memory_space<vmem>>, vector<16xf32>,
      %parallel_loop3A_186 = arith.fptosi %parallel_loop3A_185 : vector<16xf32> to vector<16xi32>
      %parallel_loop3A_187 = arith.constant 0 : i32
      %parallel_loop3A_188 = vector.broadcast %parallel_loop3A_187 : i32 to vector<16xi32>
      %parallel_loop3A_189 = arith.cmpi slt, %parallel_loop3A_186, %parallel_loop3A_188 : vector<16xi32>
      %parallel_loop3A_190 = arith.constant 16 : i32
      %parallel_loop3A_191 = vector.broadcast %parallel_loop3A_190 : i32 to vector<16xi32>
      %parallel_loop3A_192 = arith.addi %parallel_loop3A_186, %parallel_loop3A_191 : vector<16xi32>
      %parallel_loop3A_193 = arith.select %parallel_loop3A_189, %parallel_loop3A_192, %parallel_loop3A_186 : vector<16xi1>, vector<16xi32>
      %parallel_loop3A_194 = vector.shape_cast %parallel_loop3A_193 : vector<16xi32> to vector<16x1xi32>
      %parallel_loop3A_195 = vector.shape_cast %parallel_loop3A_194 : vector<16x1xi32> to vector<16xi32>
      %parallel_loop3A_196 = tpu.dynamic_gather %sub3A_169[%parallel_loop3A_195] in [0] : vector<16xf32>, vector<16xi32> -> vector<16xf32>
      %parallel_loop3A_197 = arith.constant 16 : i32
      %parallel_loop3A_198 = arith.muli %parallel_loop3A_181, %parallel_loop3A_197 : i32
      %parallel_loop3A_199 = arith.index_cast %parallel_loop3A_198 : i32 to index
      %parallel_loop3A_200 = tpu.vector_load %arg7[%parallel_loop3A_199] {strides = array<i32>} : memref<8192xf32, #tpu.memory_space<vmem>>, vector<16xf32>,
      tpu.vector_store %arg7[%parallel_loop3A_199], %parallel_loop3A_196 {strides = array<i32>} : memref<8192xf32, #tpu.memory_space<vmem>>, vector<16xf32>,
    } {sc.loop_unroll_factor = 4 : i64, sc.parallel_access}
    %add3A_173 = arith.constant 8192 : i32
    %add3A_174 = arith.addi %mul3A_5, %add3A_173 : i32
    %dma_start3A_175 = tpu.memref_slice %arg3[%add3A_174] : memref<524288xf32, #tpu.memory_space<hbm>> -> memref<8192xf32, #tpu.memory_space<hbm>>
    %dma_start3A_176 = tpu.memref_slice %arg3[%add3A_174] : memref<524288xf32, #tpu.memory_space<hbm>> -> memref<8192xf32, #tpu.memory_space<hbm>>
    tpu.enqueue_dma source(%arg7 : memref<8192xf32, #tpu.memory_space<vmem>>) target(%dma_start3A_176 : memref<8192xf32, #tpu.memory_space<hbm>>) target_semaphore(%arg9 : memref<!tpu.dma_semaphore, #tpu.memory_space<semaphore_mem>>)
    %dma_wait3A_177 = tpu.memref_slice %arg3[%mul3A_5] : memref<524288xf32, #tpu.memory_space<hbm>> -> memref<8192xf32, #tpu.memory_space<hbm>>
    %dma_wait3A_178 = tpu.memref_slice %arg3[%mul3A_5] : memref<524288xf32, #tpu.memory_space<hbm>> -> memref<8192xf32, #tpu.memory_space<hbm>>
    tpu.wait_dma2 semaphore(%arg9 : memref<!tpu.dma_semaphore, #tpu.memory_space<semaphore_mem>>) src(%arg6 : memref<8192xf32, #tpu.memory_space<vmem>>) dst(%dma_wait3A_178 : memref<8192xf32, #tpu.memory_space<hbm>>)
    %dma_wait3A_179 = tpu.memref_slice %arg3[%add3A_174] : memref<524288xf32, #tpu.memory_space<hbm>> -> memref<8192xf32, #tpu.memory_space<hbm>>
    %dma_wait3A_180 = tpu.memref_slice %arg3[%add3A_174] : memref<524288xf32, #tpu.memory_space<hbm>> -> memref<8192xf32, #tpu.memory_space<hbm>>
    tpu.wait_dma2 semaphore(%arg9 : memref<!tpu.dma_semaphore, #tpu.memory_space<semaphore_mem>>) src(%arg7 : memref<8192xf32, #tpu.memory_space<vmem>>) dst(%dma_wait3A_180 : memref<8192xf32, #tpu.memory_space<hbm>>)
    return
  }
}

</mosaic_0001>

<sc_bundles>
// kernel: kernel.3.cloned.1.call-start
scs
__scs_entry_jumppad:
0x0: {  	(pc) =	sbr.rel $0x88, $3  }
0x1: {  	(tag) =	ssettag $0x0;
	lr =	simm.s32 $0x1  }
0x2: {  	[smem:$0x3FA0] =	sst lr;
	_ =	strace $0xD0000000  }
0x3: {  	_ = 	snop  }
0x4: {  	_ = 	snop  }
0x5: {  	_ = 	snop  }
0x6: {  	_ = 	snop  }
0x7: {  	_ = 	snop  }
__scs_overlays_trampoline_lowered:
0x8: {  	[smem:$0x3FAF] =	sst s0  }
0x9: {  	[smem:$0x3FB0] =	sst s1  }
0xa: {  	[smem:$0x3FB1] =	sst s2  }
0xb: {  	[smem:$0x3FB2] =	sst s3  }
0xc: {  	[smem:$0x3FB3] =	sst s4  }
0xd: {  	[smem:$0x3FB4] =	sst s5  }
0xe: {  	[smem:$0x3FB5] =	sst s6  }
0xf: {  	[smem:$0x3FB6] =	sst s7  }
0x10: {  	[smem:$0x3FB7] =	sst s8  }
0x11: {  	[smem:$0x3FB8] =	sst s9;
	s0 =	simm.s32 @!p0 $0x0  }
0x12: {  	s1 =	sld [smem:$0x3F9E];
	s0 =	simm.s32 @p0 $0x1  }
0x13: {  	[smem:$0x3FB9] =	sst s0;
	s0 =	simm.s32 @!p1 $0x0  }
0x14: {  	s2 =	sld [smem:$0x3F9D];
	s0 =	simm.s32 @p1 $0x1  }
0x15: {  	[smem:$0x3FBA] =	sst s0;
	s0 =	simm.s32 @!p2 $0x0  }
0x16: {  	s3 =	sld [smem:$0x3FDB];
	s0 =	simm.s32 @p2 $0x1  }
0x17: {  	s4 =	simm.s32 $0x1BF5;
	[smem:$0x3FBC] =	sst s0  }
0x18: {  	s0 =	sld [smem:$0x3F9F];
	_ =	swait.ge [sflag:s4], $0x0  }
0x19: {  	s7 =	sld [smem:$0x3FA0]  }
0x1a: {  	s8 =	sadd.s32 $0xFFFFE003, lr  }
0x1b: {  	s9 =	sadd.s32 $0xFFFFFEF7, lr;
	s5 =	simm.s32 $0xFFFFFFFF;
	p2 =	slt.u32 s8, $0xFFFFF086  }
0x1c: {  	p1 =	slt.u32 s9, $0xF7A;
	s5 =	simm.s32 @!p2 $0x0  }
0x1d: {  	s5 =	simm.s32 @p1 $0x1;
	p0 =	seq.s32 s7, s2  }
0x1e: {  	s7 =	smul.u32 @!p0 $0xF7A, s2;
	p2 =	seq.s32 @!p0 s5, $0x0  }
0x1f: {  	s9 =	smul.u32 $0xF7A, s1;
	s8 =	simm.s32 @!p0 $0x1BF5;
	p2 =	por !p2, p0  }
0x20: {  	[sflag:s8] =	ssyncset.s32 @!p0 $0xFFFFF086;
	s6 =	sadd.s32 @!p0 s3, s7;
	s7 =	simm.s32 @!p0 $0x108  }
0x21: {  	s3 =	sadd.s32 s3, s9;
	s6 =	sadd.s32 @!p0 $0x88, s6;
	s7 =	simm.s32 @p2 $0x1082  }
0x22: {  	[simem:s7], [sflag:s8] =	dma.local @!p0 [hbm:s6], $0xF7A  }
0x23: {  	s9 =	sor.u32 $0xD0000000, s2;
	s6 =	simm.s32 $0x108;
	_ =	swait.ge @!p0 [sflag:s8], $0x0  }
0x24: {  	s3 =	sadd.s32 $0x88, s3;
	s6 =	simm.s32 @!p1 $0x1082;
	[sflag:s4] =	ssyncset.s32 $0xFFFFF086  }
0x25: {  	[simem:s6], [sflag:s4] =	dma.local [hbm:s3], $0xF7A  }
0x26: {  	[smem:$0x3FA0] =	sst s1;
	(tag) =	ssettag s2;
	_ =	strace s9  }
0x27: {  	s1 =	sld [smem:$0x3FB0]  }
0x28: {  	s2 =	sld [smem:$0x3FB1]  }
0x29: {  	s4 =	sld [smem:$0x3FB3]  }
0x2a: {  	p0 =	seq.s32 s5, $0x0;
	s5 =	sld [smem:$0x3FB4]  }
0x2b: {  	s6 =	sld [smem:$0x3FB5]  }
0x2c: {  	s7 =	sld [smem:$0x3FB6]  }
0x2d: {  	s3 =	simm.s32 $0x108;
	s8 =	sld [smem:$0x3FB7]  }
0x2e: {  	s3 =	simm.s32 @!p0 $0x1082;
	s9 =	sld [smem:$0x3FB8]  }
0x2f: {  	lr =	sadd.s32 s0, s3;
	s0 =	sld [smem:$0x3FAF]  }
0x30: {  	s3 =	sld [smem:$0x3FB2]  }
0x31: {  	[smem:$0x3FBB] =	sst s10  }
0x32: {  	s10 =	sld [smem:$0x3FB9];
	_ =	sdelay $0x3  }
0x33: {  	p0 =	seq.s32 s10, $0x1;
	s10 =	sld [smem:$0x3FBB];
	_ =	sdelay $0x3  }
0x34: {  	[smem:$0x3FBB] =	sst s10  }
0x35: {  	s10 =	sld [smem:$0x3FBA];
	_ =	sdelay $0x3  }
0x36: {  	p1 =	seq.s32 s10, $0x1;
	s10 =	sld [smem:$0x3FBB];
	_ =	sdelay $0x3  }
0x37: {  	[smem:$0x3FBB] =	sst s10  }
0x38: {  	s10 =	sld [smem:$0x3FBC]  }
0x39: {  	_ = 	snop;
	(pc) =	sbr.ind lr, $3  }
0x3a: {  	_ = 	snop  }
0x3b: {  	_ = 	snop  }
0x3c: {  	p2 =	seq.s32 s10, $0x1;
	s10 =	sld [smem:$0x3FBB]  }
0x3d: {  	_ =	shalt  }
0x3e: {  	_ =	shalt  }
0x3f: {  	_ =	shalt  }
0x40: {  	_ =	shalt  }
0x41: {  	_ =	shalt  }
0x42: {  	_ =	shalt  }
0x43: {  	_ =	shalt  }
0x44: {  	_ =	shalt  }
0x45: {  	_ =	shalt  }
0x46: {  	_ =	shalt  }
0x47: {  	_ =	shalt  }
0x48: {  	_ =	shalt  }
0x49: {  	_ =	shalt  }
0x4a: {  	_ =	shalt  }
0x4b: {  	_ =	shalt  }
0x4c: {  	_ =	shalt  }
0x4d: {  	_ =	shalt  }
0x4e: {  	_ =	shalt  }
0x4f: {  	_ =	shalt  }
0x50: {  	_ =	shalt  }
0x51: {  	_ =	shalt  }
0x52: {  	_ =	shalt  }
0x53: {  	_ =	shalt  }
0x54: {  	_ =	shalt  }
0x55: {  	_ =	shalt  }
0x56: {  	_ =	shalt  }
0x57: {  	_ =	shalt  }
0x58: {  	_ =	shalt  }
0x59: {  	_ =	shalt  }
0x5a: {  	_ =	shalt  }
0x5b: {  	_ =	shalt  }
0x5c: {  	_ =	shalt  }
0x5d: {  	_ =	shalt  }
0x5e: {  	_ =	shalt  }
0x5f: {  	_ =	shalt  }
0x60: {  	_ =	shalt  }
0x61: {  	_ =	shalt  }
0x62: {  	_ =	shalt  }
0x63: {  	_ =	shalt  }
0x64: {  	_ =	shalt  }
0x65: {  	_ =	shalt  }
0x66: {  	_ =	shalt  }
0x67: {  	_ =	shalt  }
0x68: {  	_ =	shalt  }
0x69: {  	_ =	shalt  }
0x6a: {  	_ =	shalt  }
0x6b: {  	_ =	shalt  }
0x6c: {  	_ =	shalt  }
0x6d: {  	_ =	shalt  }
0x6e: {  	_ =	shalt  }
0x6f: {  	_ =	shalt  }
0x70: {  	_ =	shalt  }
0x71: {  	_ =	shalt  }
0x72: {  	_ =	shalt  }
0x73: {  	_ =	shalt  }
0x74: {  	_ =	shalt  }
0x75: {  	_ =	shalt  }
0x76: {  	_ =	shalt  }
0x77: {  	_ =	shalt  }
0x78: {  	_ =	shalt  }
0x79: {  	_ =	shalt  }
0x7a: {  	_ =	shalt  }
0x7b: {  	_ =	shalt  }
0x7c: {  	_ =	shalt  }
0x7d: {  	_ =	shalt  }
0x7e: {  	_ =	shalt  }
0x7f: {  	_ =	shalt  }
0x80: {  	_ =	shalt  }
0x81: {  	_ =	shalt  }
0x82: {  	_ =	shalt  }
0x83: {  	_ =	shalt  }
0x84: {  	_ =	shalt  }
0x85: {  	_ =	shalt  }
0x86: {  	_ =	shalt  }
0x87: {  	_ =	shalt  }
.Lfunc_end0:
.L_simem_size_0:
called_computation_lowered:
.L_overlay_start_0:
0x88: {  	s2 =	sld [smem:$0x3FD9]  }
0x89: {  	s3 =	sld [smem:$0x3FFE];
	_ =	sdelay $0x1  }
0x8a: {  	s1 =	srdreg.scid  }
0x8b: {  	s0 =	sand.u32 $0x1, s1  }
0x8c: {  	s18 =	sshll.u32 s0, $0xA;
	s2 =	sadd.s32 s3, s2  }
0x8d: {  	s2 =	sadd.s32 s2, s18  }
0x8e: {  	[smem:$0x3FC7] =	sst s2  }
0x8f: {  	_ = 	snop  }
0x90: {  	s2 =	sld [smem:$0x3FC9]  }
0x91: {  	s19 =	sld [smem:$0x3FD0];
	(tm) =	ssettm $0x1  }
0x92: {  	s4 =	sld [smem:$0x3FFB];
	_ =	sdelay $0x3  }
0x93: {  	_ =	strace s4  }
0x94: {  	s4 =	sld [smem:$0x3FFC];
	_ =	sdelay $0x3  }
0x95: {  	_ =	strace s4  }
0x96: {  	s4 =	sld [smem:$0x3FFD];
	_ =	sdelay $0x3  }
0x97: {  	_ =	strace s4  }
0x98: {  	_ =	strace $0x8FFFFFFF  }
0x99: {  	s20 =	sld [smem:$0x3FDB];
	_ =	sdelay $0x1  }
0x9a: {  	s5 =	simm.s32 $_scs_section_size  }
0x9b: {  	s6 =	simm.s32 $_size__tile_overlayer_lowered;
	s7 =	simm.s32 $_tile_overlayer_lowered  }
0x9c: {  	s23 =	simm.s32 $0x1BFF;
	s22 =	sshll.u32 s7, $0x1;
	s4 =	sadd.s32 s5, s20  }
0x9d: {  	s8 =	simm.s32 $0x0;
	s21 =	sshll.u32 s6, $0x1;
	s6 =	sadd.s32 s22, s4  }
0x9e: {  	[timem:s8], [sflag:s23] =	dma.local [hbm:s6], s21  }
0x9f: {  	_ =	swait.ge [sflag:s23], s21  }
0xa0: {  	s5 =	ssub.s32 $0x0, s21;
	[sflag:s23] =	ssyncset.done $0x0  }
0xa1: {  	[sflag:s23] =	ssyncadd.s32 s5;
	_ =	sdelay $0x1  }
0xa2: {  	s24 =	simm.s32 $0x1B8B  }
0xa3: {  	_ =	swait.ge [sflag:s24], $0x1  }
0xa4: {  	[sflag:s24] =	ssyncset.done $0x0  }
0xa5: {  	s25 =	simm.s32 $0x1B8E;
	[sflag:s24] =	ssyncadd.s32 $0xFFFFFFFF  }
0xa6: {  	s26 =	simm.s32 $execute0_lowered;
	[smem:$0x3FD2] =	sst s25  }
0xa7: {  	s5 =	sshll.u32 s26, $0x1;
	_ =	strace $0x80000046;
	[dreg:$0x1] =	wrdreg $0xFFFFFFFF  }
0xa8: {  	s28 =	simm.s32 $_size_execute0_lowered;
	s4 =	sadd.s32 s4, s5;
	[dreg:$0x0] =	wrdreg $0x0  }
0xa9: {  	s5 =	sshll.u32 s28, $0x1;
	[dreg:$0x2] =	wrdreg s4  }
0xaa: {  	[dreg:$0x3] =	wrdreg s5  }
0xab: {  	[dreg:$0x4] =	wrdreg $0xC0  }
0xac: {  	_ =	task [dreg:s8], $0x5FFFF  }
0xad: {  	[dreg:$0x1] =	wrdreg $0xFFFFFFFF  }
0xae: {  	[dreg:$0x0] =	wrdreg $0x60  }
0xaf: {  	[dreg:$0x2] =	wrdreg s2  }
0xb0: {  	[dreg:$0x3] =	wrdreg s19  }
0xb1: {  	[dreg:$0x4] =	wrdreg $0x9  }
0xb2: {  	_ =	task.clear_ibuf [dreg:s8], $0x5FFFF;
	_ =	strace $0x90000046  }
0xb3: {  	s29 =	simm.s32 $0x9;
	_ =	strace $0x80000048  }
0xb4: {  	_ =	swait.ge [sflag:s29], $0x1  }
0xb5: {  	[sflag:s29] =	ssyncadd.s32 $0xFFFFFFFF  }
0xb6: {  	_ =	strace $0x90000048  }
0xb7: {  	_ =	sfence  }
0xb8: {  	s30 =	sld [smem:$0x0];
	_ =	sdelay $0x2  }
0xb9: {  	s31 =	sshll.u32 s1, $0xD;
	s1 =	sshrl.u32 s1, $0x2  }
0xba: {  	s3 =	sand.u32 $0x4000, s31;
	s1 =	sadd.s32 s1, s30  }
0xbb: {  	s0 =	sor.u32 s3, s0;
	s1 =	sshll.u32 s1, $0x11  }
0xbc: {  	s0 =	sor.u32 s1, s0  }
0xbd: {  	s0 =	sadd.s32 $0x8F2B, s0  }
0xbe: {  	[sflag:s0] =	ssyncadd.remote.s32 $0x1  }
0xbf: {  	_ =	sfence.sel $0xFFFF  }
0xc0: {  	[dreg:$0x0] =	wrdreg $0xFFFFFFFF;
	(pc) =	sbr.abs _section_cstart, $3  }
0xc1: {  	[dreg:$0x1] =	wrdreg $0xFFFFFFFF  }
0xc2: {  	_ =	task.clear_ibuf [dreg:s8], $0x2FFFF;
	_ =	strace $0x9FFFFFFF  }
0xc3: {  	(tm) =	ssettm $0x7FFFFFFF  }
tec
execute0_lowered:
.L_overlay_start_1:
0x0: {  	(tag) =	ssettag $0x1  }
0x1: {  	v0 =	vimm.s32 $0xFEDCBA98;
	v1 =	vimm.s32 $0x76543210;
	s5 =	rddreg [dreg:$0x0]  }
0x2: {  	s7 =	rddreg [dreg:$0x1];
	v2 =	vimm.s32 $0xBA98FEDC;
	v3 =	vimm.s32 $0x32107654;
	v4 =	vimm.s32 $0xDCFE98BA  }
0x3: {  	s0 =	rddreg [dreg:$0x2];
	s1 =	simm.s32 $0x0;
	s3 =	srdreg.scid;
	v5 =	vimm.s32 $0x54761032;
	v6 =	vimm.s32 $0xEFCDAB89;
	v7 =	vimm.s32 $0x67452301  }
0x4: {  	s2 =	stileid.u32;
	s10 =	simm.s32 $0x2000;
	s11 =	simm.s32 $0x1;
	v0 =	vunpack.c.l.s4.s8 v0;
	v1 =	vunpack.c.l.s4.s8 v1;
	v2 =	vunpack.c.l.s4.s8 v2  }
0x5: {  	s12 =	simm.s32 $0x4000;
	s13 =	simm.s32 $0x6000;
	s14 =	simm.s32 $0x2;
	v3 =	vunpack.c.l.s4.s8 v3;
	v4 =	vunpack.c.l.s4.s8 v4;
	v5 =	vunpack.c.l.s4.s8 v5  }
0x6: {  	s15 =	simm.s32 $0x0;
	[smem:$0x7FF] =	sst s1;
	s3 =	sand.u32 $0x1, s3;
	v6 =	vunpack.c.l.s4.s8 v6;
	v7 =	vunpack.c.l.s4.s8 v7;
	v0 =	vunpack.c.0.s8.s32 v0  }
0x7: {  	s6 =	sshll.u32 s2, $0xC;
	s4 =	ssub.s32 $0x2, s3;
	s3 =	sshll.u32 s3, $0xB;
	v1 =	vunpack.c.0.s8.s32 v1;
	v2 =	vunpack.c.0.s8.s32 v2;
	v3 =	vunpack.c.0.s8.s32 v3  }
0x8: {  	_ =	strace $0x80000047;
	s8 =	sshrl.u32 s4, $0x1;
	s6 =	sor.u32 s3, s6;
	v4 =	vunpack.c.0.s8.s32 v4;
	v5 =	vunpack.c.0.s8.s32 v5;
	v0 =	vand.u32 $0xF, v0  }
0x9: {  	v6 =	vunpack.c.0.s8.s32 v6;
	v7 =	vunpack.c.0.s8.s32 v7;
	s8 =	ssub.s32 s4, s8;
	s3 =	sadd.s32 s5, s6;
	s9 =	sor.u32 $0x400, s6;
	v0 =	vcombine.low v0, v1  }
0xa: {  	s6 =	sadd.s32 s7, s6;
	s4 =	sadd.s32 $0x200, s3;
	s5 =	sadd.s32 s5, s9;
	v1 =	vcombine.low v3, v2;
	v2 =	vcombine.low v5, v4  }
0xb: {  	s7 =	sadd.s32 s7, s9;
	s8 =	smax.u32 s8, $0x1;
	s9 =	simm.s32 $0x1000;
	v3 =	vimm.s32 $0x1;
	v4 =	vcombine.low v7, v6;
	v5 =	vlaneseq.u32  }
.LBB2_1:
0xc: {  	[tilespmem:s1], [sflag:$0x1] =	stream.linear.gather [hbm4b:s3+s1], $0x1000, $0x38;
	[tilespmem:$0x8000] =	vst v63  }
0xd: {  	_ = 	snop  }
0xe: {  	[tilespmem:s9], [sflag:$0x1] =	stream.linear.gather [hbm4b:s4+s1], $0x1000, $0x38;
	[tilespmem:$0x8000] =	vst v63  }
0xf: {  	_ = 	snop  }
0x10: {  	[tilespmem:s10], [sflag:$0x1] =	stream.linear.gather [hbm4b:s5+s1], $0x2000, $0x38;
	[tilespmem:$0x8000] =	vst v63  }
0x11: {  	_ =	swait.ge [sflag:s11], $0x1000  }
0x12: {  	[sflag:s11] =	ssyncset.done $0x0  }
0x13: {  	s16 =	simm.s32 $0x40;
	[sflag:s11] =	ssyncadd.s32 $0xFFFFF000  }
0x14: {  	v6 =	vld [tilespmem:s16+$0xFFFFFFC0]  }
0x15: {  	v7 =	vld [tilespmem:s16+$0xFFFFFFE0]  }
0x16: {  	v8 =	vld [tilespmem:s16+$0xFFFFFFF0]  }
0x17: {  	v9 =	vld [tilespmem:s16+$0xFFFFFFD0]  }
0x18: {  	v10 =	vld [tilespmem:s16+$0x0]  }
0x19: {  	v11 =	vld [tilespmem:s16+$0x10]  }
0x1a: {  	v13 =	vld [tilespmem:s16+$0x20];
	_ =	sdelay $0x1  }
0x1b: {  	v6 =	vtrunc.f32 v6;
	v7 =	vtrunc.f32 v7  }
0x1c: {  	v8 =	vtrunc.f32 v8;
	v9 =	vtrunc.f32 v9  }
0x1d: {  	v10 =	vtrunc.f32 v10;
	v12 =	vcvt.f32.s32 v6;
	v6 =	vld [tilespmem:s16+$0x30]  }
0x1e: {  	s17 =	simm.s32 $0xC0;
	v11 =	vtrunc.f32 v11;
	v13 =	vtrunc.f32 v13  }
0x1f: {  	v15 =	vld [tilespmem:s17+$0xFFFFFFC0];
	v7 =	vcvt.f32.s32 v7;
	v8 =	vcvt.f32.s32 v8  }
0x20: {  	v14 =	vimm.s32 $0x0;
	v17 =	vld [tilespmem:s17+$0xFFFFFFF0];
	v9 =	vcvt.f32.s32 v9;
	v10 =	vcvt.f32.s32 v10  }
0x21: {  	v11 =	vcvt.f32.s32 v11;
	v13 =	vcvt.f32.s32 v13;
	v7 =	vshll.u32 v3, v7  }
0x22: {  	v16 =	vld [tilespmem:s17+$0xFFFFFFE0];
	v8 =	vshll.u32 v3, v8;
	v9 =	vshll.u32 v3, v9;
	v6 =	vtrunc.f32 v6  }
0x23: {  	v18 =	vld [tilespmem:s17+$0xFFFFFFD0];
	v20 =	vshll.u32 v3, v10;
	v9 =	vor.u32 v14, v9;
	v6 =	vcvt.f32.s32 v6  }
0x24: {  	v19 =	vld [tilespmem:s17+$0x0];
	v10 =	vshll.u32 v3, v11;
	v8 =	vor.u32 v8, v9;
	v9 =	vtrunc.f32 v15  }
0x25: {  	v15 =	vtrunc.f32 v17;
	v8 =	vor.u32 v10, v8;
	v11 =	vshll.u32 v3, v6  }
0x26: {  	v6 =	vcvt.f32.s32 v9;
	v9 =	vshll.u32 v3, v12;
	v8 =	vor.u32 v11, v8;
	v11 =	vld [tilespmem:s17+$0x10]  }
0x27: {  	v10 =	vtrunc.f32 v16;
	v12 =	vshll.u32 v3, v13;
	v13 =	vor.u32 v14, v9;
	v9 =	vld [tilespmem:s17+$0x30]  }
0x28: {  	v16 =	vcvt.f32.s32 v15;
	v10 =	vcvt.f32.s32 v10;
	v17 =	vor.u32 v7, v13;
	v13 =	vld [tilespmem:s17+$0x20]  }
0x29: {  	v15 =	vtrunc.f32 v18;
	v14 =	vtrunc.f32 v19  }
0x2a: {  	s16 =	simm.s32 $0x4;
	v7 =	vshll.u32 v3, v10;
	v10 =	vshll.u32 v3, v16;
	s17 =	simm.s32 $0x140;
	v16 =	vor.u32 v20, v17  }
.LBB2_2:
0x2b: {  	v17 =	vld [tilespmem:s17+$0xFFFFFFC0];
	s16 =	sadd.s32 $0x4, s16;
	v15 =	vcvt.f32.s32 v15;
	v11 =	vtrunc.f32 v11;
	v16 =	vor.u32 v12, v16  }
0x2c: {  	v14 =	vcvt.f32.s32 v14;
	v12 =	vld [tilespmem:s17+$0xFFFFFFE0];
	p0 =	slt.u32 s16, $0x7C;
	v11 =	vcvt.f32.s32 v11  }
0x2d: {  	v9 =	vtrunc.f32 v9;
	v18 =	vld [tilespmem:s17+$0xFFFFFFF0];
	v15 =	vshll.u32 v3, v15;
	v13 =	vtrunc.f32 v13  }
0x2e: {  	v9 =	vcvt.f32.s32 v9;
	v19 =	vld [tilespmem:s17+$0xFFFFFFD0];
	v13 =	vcvt.f32.s32 v13;
	v8 =	vor.u32 v8, v15  }
0x2f: {  	v21 =	vshll.u32 v3, v14;
	v11 =	vshll.u32 v3, v11;
	v20 =	vld [tilespmem:s17+$0x0];
	v8 =	vor.u32 v10, v8  }
0x30: {  	v9 =	vshll.u32 v3, v9;
	v10 =	vtrunc.f32 v17;
	v8 =	vor.u32 v11, v8  }
.Ltmp0:
0x31: {  	v14 =	vshll.u32 v3, v6;
	v11 =	vld [tilespmem:s17+$0x10];
	v6 =	vcvt.f32.s32 v10;
	v8 =	vor.u32 v9, v8;
	(pc) =	sbr.rel @p0 .LBB2_2-.Ltmp0, $4  }
0x32: {  	v10 =	vtrunc.f32 v12;
	v12 =	vshll.u32 v3, v13;
	v15 =	vtrunc.f32 v18;
	v9 =	vld [tilespmem:s17+$0x30]  }
0x33: {  	v16 =	vor.u32 v16, v14;
	v10 =	vcvt.f32.s32 v10;
	v17 =	vcvt.f32.s32 v15;
	v13 =	vld [tilespmem:s17+$0x20]  }
0x34: {  	v16 =	vor.u32 v7, v16;
	v15 =	vtrunc.f32 v19;
	v14 =	vtrunc.f32 v20  }
0x35: {  	v16 =	vor.u32 v21, v16;
	s17 =	sadd.s32 $0x80, s17;
	v7 =	vshll.u32 v3, v10;
	v10 =	vshll.u32 v3, v17  }
0x36: {  	v15 =	vcvt.f32.s32 v15  }
0x37: {  	v11 =	vtrunc.f32 v11;
	v14 =	vcvt.f32.s32 v14  }
0x38: {  	v12 =	vor.u32 v12, v16;
	v6 =	vshll.u32 v3, v6;
	v11 =	vcvt.f32.s32 v11  }
0x39: {  	v9 =	vtrunc.f32 v9;
	v6 =	vor.u32 v12, v6;
	v13 =	vtrunc.f32 v13  }
0x3a: {  	v15 =	vshll.u32 v3, v15;
	v9 =	vcvt.f32.s32 v9;
	v14 =	vshll.u32 v3, v14  }
0x3b: {  	v6 =	vor.u32 v7, v6;
	v13 =	vcvt.f32.s32 v13;
	v8 =	vor.u32 v8, v15  }
0x3c: {  	v11 =	vshll.u32 v3, v11;
	v6 =	vor.u32 v14, v6;
	v8 =	vor.u32 v10, v8  }
0x3d: {  	v9 =	vshll.u32 v3, v9;
	v7 =	vor.u32 v11, v8;
	v8 =	vshll.u32 v3, v13  }
0x3e: {  	v7 =	vor.u32 v9, v7;
	v6 =	vor.u32 v8, v6  }
0x3f: {  	v6 =	vor.u32 v6, v7  }
0x40: {  	v7 =	vperm.xlane v6, v0;
	_ =	sdelay $0x1  }
0x41: {  	v6 =	vor.u32 v6, v7  }
0x42: {  	v7 =	vperm.xlane v6, v1;
	_ =	sdelay $0x1  }
0x43: {  	v6 =	vor.u32 v7, v6  }
0x44: {  	v7 =	vperm.xlane v6, v2;
	_ =	sdelay $0x1  }
0x45: {  	v6 =	vor.u32 v7, v6  }
0x46: {  	v7 =	vperm.xlane v6, v4;
	_ =	sdelay $0x1  }
0x47: {  	v6 =	vor.u32 v7, v6  }
0x48: {  	v6 =	vshrl.u32 v6, v5  }
0x49: {  	v6 =	vand.u32 $0x1, v6  }
0x4a: {  	v6 =	vcvt.s32.f32 v6;
	_ =	sdelay $0x1  }
0x4b: {  	(xrf2) =	vadd.scan.msk.f32 $0xffff, v6;
	_ =	sdelay $0x9  }
0x4c: {  	v7, _, _ =	vpop (xrf2)  }
0x4d: {  	_ =	swait.ge [sflag:s11], $0x1000  }
0x4e: {  	[sflag:s11] =	ssyncset.done $0x0  }
0x4f: {  	s16 =	simm.s32 $0x20;
	[sflag:s11] =	ssyncadd.s32 $0xFFFFF000  }
0x50: {  	v8 =	vld [tilespmem:s16+$0xFFFFFFF0]  }
0x51: {  	v9 =	vld [tilespmem:s16+$0x10]  }
0x52: {  	v10 =	vld [tilespmem:s16+$0xFFFFFFE0];
	_ =	sdelay $0x1  }
0x53: {  	s17 =	simm.s32 $0x60;
	v11 =	vld [tilespmem:s16+$0x0]  }
0x54: {  	v12 =	vld [tilespmem:s17+$0xFFFFFFF0]  }
0x55: {  	v6 =	vsub.f32 v7, v6;
	v8 =	vtrunc.f32 v8;
	v7 =	vtrunc.f32 v9  }
0x56: {  	v13 =	vcvt.f32.s32 v8;
	v8 =	vtrunc.f32 v10  }
0x57: {  	v7 =	vcvt.f32.s32 v7;
	v10 =	vcvt.f32.s32 v8;
	v8 =	vld [tilespmem:s17+$0x10]  }
0x58: {  	v15 =	vtrunc.f32 v11;
	v9 =	vld [tilespmem:s17+$0xFFFFFFE0];
	v14 =	vperm.xlane v6, v13  }
0x59: {  	s16 =	simm.s32 $0x4020;
	v11 =	vperm.xlane v6, v7;
	v13 =	vtrunc.f32 v12  }
0x5a: {  	s18 =	simm.s32 $0x4;
	s19 =	simm.s32 $0xA0;
	v7 =	vld [tilespmem:s17+$0x0];
	v12 =	vcvt.f32.s32 v15;
	s17 =	simm.s32 $0x4020;
	v10 =	vperm.xlane v6, v10;
	[tilespmem:s16+$0xFFFFFFF0] =	vst v14  }
.LBB2_4:
0x5b: {  	s18 =	sadd.s32 $0x4, s18  }
0x5c: {  	v14 =	vld [tilespmem:s19+$0xFFFFFFF0];
	v13 =	vcvt.f32.s32 v13;
	v15 =	vtrunc.f32 v8;
	[tilespmem:s16+$0x10] =	vst v11;
	s17 =	sadd.s32 $0x40, s17;
	p0 =	slt.u32 s18, $0x1FC  }
.Ltmp1:
0x5d: {  	v8 =	vld [tilespmem:s19+$0x10];
	v11 =	vtrunc.f32 v9;
	v12 =	vperm.xlane v6, v12;
	(pc) =	sbr.rel @p0 .LBB2_4-.Ltmp1, $4  }
0x5e: {  	v15 =	vcvt.f32.s32 v15;
	v9 =	vld [tilespmem:s19+$0xFFFFFFE0];
	v11 =	vcvt.f32.s32 v11;
	[tilespmem:s16+$0xFFFFFFE0] =	vst v10  }
0x5f: {  	v16 =	vperm.xlane v6, v13;
	v17 =	vtrunc.f32 v7;
	v7 =	vld [tilespmem:s19+$0x0];
	[tilespmem:s16+$0x0] =	vst v12;
	s16 =	smov.u32 s17  }
0x60: {  	v10 =	vperm.xlane v6, v11;
	v11 =	vperm.xlane v6, v15  }
0x61: {  	s19 =	sadd.s32 $0x40, s19;
	v12 =	vcvt.f32.s32 v17;
	v13 =	vtrunc.f32 v14;
	[tilespmem:s17+$0xFFFFFFF0] =	vst v16  }
0x62: {  	v13 =	vcvt.f32.s32 v13;
	v8 =	vtrunc.f32 v8  }
0x63: {  	v9 =	vtrunc.f32 v9;
	v12 =	vperm.xlane v6, v12  }
0x64: {  	[tilespmem:s16+$0x10] =	vst v11;
	v8 =	vcvt.f32.s32 v8;
	v9 =	vcvt.f32.s32 v9  }
0x65: {  	[tilespmem:s16+$0xFFFFFFE0] =	vst v10;
	v10 =	vperm.xlane v6, v13;
	v7 =	vtrunc.f32 v7  }
0x66: {  	s17 =	sadd.s32 $0x40, s17;
	[tilespmem:s16+$0x0] =	vst v12;
	v8 =	vperm.xlane v6, v8;
	v7 =	vcvt.f32.s32 v7  }
0x67: {  	v9 =	vperm.xlane v6, v9;
	[tilespmem:s17+$0xFFFFFFF0] =	vst v10  }
0x68: {  	[tilespmem:s17+$0x10] =	vst v8;
	v6 =	vperm.xlane v6, v7  }
0x69: {  	[tilespmem:s17+$0xFFFFFFE0] =	vst v9  }
0x6a: {  	[tilespmem:s17+$0x0] =	vst v6  }
0x6b: {  	[hbm4b:s6+s1] =	stream.linear.scatter [tilespmem:s12], [sflag:$0x2], $0x2000, $0x38;
	[tilespmem:$0x8000] =	vst v63  }
0x6c: {  	_ =	swait.ge [sflag:s11], $0x2000  }
0x6d: {  	[sflag:s11] =	ssyncset.done $0x0  }
0x6e: {  	s30 =	simm.s32 $0x2040;
	[sflag:s11] =	ssyncadd.s32 $0xFFFFE000  }
0x6f: {  	v6 =	vld [tilespmem:s30+$0xFFFFFFC0]  }
0x70: {  	v7 =	vld [tilespmem:s30+$0xFFFFFFE0]  }
0x71: {  	v8 =	vld [tilespmem:s30+$0xFFFFFFF0]  }
0x72: {  	v9 =	vld [tilespmem:s30+$0xFFFFFFD0]  }
0x73: {  	v10 =	vld [tilespmem:s30+$0x0]  }
0x74: {  	v11 =	vld [tilespmem:s30+$0x10]  }
0x75: {  	v13 =	vld [tilespmem:s30+$0x20];
	_ =	sdelay $0x1  }
0x76: {  	v6 =	vtrunc.f32 v6;
	v7 =	vtrunc.f32 v7  }
0x77: {  	v8 =	vtrunc.f32 v8;
	v9 =	vtrunc.f32 v9  }
0x78: {  	v10 =	vtrunc.f32 v10;
	v12 =	vcvt.f32.s32 v6;
	v6 =	vld [tilespmem:s30+$0x30]  }
0x79: {  	s31 =	simm.s32 $0x20C0;
	v11 =	vtrunc.f32 v11;
	v13 =	vtrunc.f32 v13  }
0x7a: {  	v15 =	vld [tilespmem:s31+$0xFFFFFFC0];
	v7 =	vcvt.f32.s32 v7;
	v8 =	vcvt.f32.s32 v8  }
0x7b: {  	v14 =	vimm.s32 $0x0;
	v17 =	vld [tilespmem:s31+$0xFFFFFFF0];
	v9 =	vcvt.f32.s32 v9;
	v10 =	vcvt.f32.s32 v10  }
0x7c: {  	v11 =	vcvt.f32.s32 v11;
	v13 =	vcvt.f32.s32 v13;
	v7 =	vshll.u32 v3, v7  }
0x7d: {  	v16 =	vld [tilespmem:s31+$0xFFFFFFE0];
	v8 =	vshll.u32 v3, v8;
	v9 =	vshll.u32 v3, v9;
	v6 =	vtrunc.f32 v6  }
0x7e: {  	v18 =	vld [tilespmem:s31+$0xFFFFFFD0];
	v20 =	vshll.u32 v3, v10;
	v9 =	vor.u32 v14, v9;
	v6 =	vcvt.f32.s32 v6  }
0x7f: {  	v19 =	vld [tilespmem:s31+$0x0];
	v10 =	vshll.u32 v3, v11;
	v8 =	vor.u32 v8, v9;
	v9 =	vtrunc.f32 v15  }
0x80: {  	v15 =	vtrunc.f32 v17;
	v8 =	vor.u32 v10, v8;
	v11 =	vshll.u32 v3, v6  }
0x81: {  	v6 =	vcvt.f32.s32 v9;
	v9 =	vshll.u32 v3, v12;
	v8 =	vor.u32 v11, v8;
	v11 =	vld [tilespmem:s31+$0x10]  }
0x82: {  	v10 =	vtrunc.f32 v16;
	v12 =	vshll.u32 v3, v13;
	v13 =	vor.u32 v14, v9;
	v9 =	vld [tilespmem:s31+$0x30]  }
0x83: {  	v16 =	vcvt.f32.s32 v15;
	v10 =	vcvt.f32.s32 v10;
	v17 =	vor.u32 v7, v13;
	v13 =	vld [tilespmem:s31+$0x20]  }
0x84: {  	v15 =	vtrunc.f32 v18;
	v14 =	vtrunc.f32 v19  }
0x85: {  	s16 =	simm.s32 $0x4;
	s17 =	simm.s32 $0x2140;
	v7 =	vshll.u32 v3, v10;
	v10 =	vshll.u32 v3, v16;
	v16 =	vor.u32 v20, v17  }
.LBB2_6:
0x86: {  	v17 =	vld [tilespmem:s17+$0xFFFFFFC0];
	s16 =	sadd.s32 $0x4, s16;
	v15 =	vcvt.f32.s32 v15;
	v11 =	vtrunc.f32 v11;
	v16 =	vor.u32 v12, v16  }
0x87: {  	v14 =	vcvt.f32.s32 v14;
	v12 =	vld [tilespmem:s17+$0xFFFFFFE0];
	p0 =	slt.u32 s16, $0x7C;
	v11 =	vcvt.f32.s32 v11  }
0x88: {  	v9 =	vtrunc.f32 v9;
	v18 =	vld [tilespmem:s17+$0xFFFFFFF0];
	v15 =	vshll.u32 v3, v15;
	v13 =	vtrunc.f32 v13  }
0x89: {  	v9 =	vcvt.f32.s32 v9;
	v19 =	vld [tilespmem:s17+$0xFFFFFFD0];
	v13 =	vcvt.f32.s32 v13;
	v8 =	vor.u32 v8, v15  }
0x8a: {  	v21 =	vshll.u32 v3, v14;
	v11 =	vshll.u32 v3, v11;
	v20 =	vld [tilespmem:s17+$0x0];
	v8 =	vor.u32 v10, v8  }
0x8b: {  	v9 =	vshll.u32 v3, v9;
	v10 =	vtrunc.f32 v17;
	v8 =	vor.u32 v11, v8  }
.Ltmp2:
0x8c: {  	v14 =	vshll.u32 v3, v6;
	v11 =	vld [tilespmem:s17+$0x10];
	v6 =	vcvt.f32.s32 v10;
	v8 =	vor.u32 v9, v8;
	(pc) =	sbr.rel @p0 .LBB2_6-.Ltmp2, $4  }
0x8d: {  	v10 =	vtrunc.f32 v12;
	v12 =	vshll.u32 v3, v13;
	v15 =	vtrunc.f32 v18;
	v9 =	vld [tilespmem:s17+$0x30]  }
0x8e: {  	v16 =	vor.u32 v16, v14;
	v10 =	vcvt.f32.s32 v10;
	v17 =	vcvt.f32.s32 v15;
	v13 =	vld [tilespmem:s17+$0x20]  }
0x8f: {  	v16 =	vor.u32 v7, v16;
	v15 =	vtrunc.f32 v19;
	v14 =	vtrunc.f32 v20  }
0x90: {  	v16 =	vor.u32 v21, v16;
	s17 =	sadd.s32 $0x80, s17;
	v7 =	vshll.u32 v3, v10;
	v10 =	vshll.u32 v3, v17  }
0x91: {  	v15 =	vcvt.f32.s32 v15  }
0x92: {  	v11 =	vtrunc.f32 v11;
	v14 =	vcvt.f32.s32 v14  }
0x93: {  	v12 =	vor.u32 v12, v16;
	v6 =	vshll.u32 v3, v6;
	v11 =	vcvt.f32.s32 v11  }
0x94: {  	v9 =	vtrunc.f32 v9;
	v6 =	vor.u32 v12, v6;
	v13 =	vtrunc.f32 v13  }
0x95: {  	v15 =	vshll.u32 v3, v15;
	v9 =	vcvt.f32.s32 v9;
	v14 =	vshll.u32 v3, v14  }
0x96: {  	v6 =	vor.u32 v7, v6;
	v13 =	vcvt.f32.s32 v13;
	v8 =	vor.u32 v8, v15  }
0x97: {  	v11 =	vshll.u32 v3, v11;
	v6 =	vor.u32 v14, v6;
	v8 =	vor.u32 v10, v8  }
0x98: {  	v9 =	vshll.u32 v3, v9;
	v7 =	vor.u32 v11, v8;
	v8 =	vshll.u32 v3, v13  }
0x99: {  	v7 =	vor.u32 v9, v7;
	v6 =	vor.u32 v8, v6  }
0x9a: {  	v6 =	vor.u32 v6, v7  }
0x9b: {  	v7 =	vperm.xlane v6, v0;
	_ =	sdelay $0x1  }
0x9c: {  	v6 =	vor.u32 v6, v7  }
0x9d: {  	v7 =	vperm.xlane v6, v1;
	_ =	sdelay $0x1  }
0x9e: {  	v6 =	vor.u32 v7, v6  }
0x9f: {  	v7 =	vperm.xlane v6, v2;
	_ =	sdelay $0x1  }
0xa0: {  	v6 =	vor.u32 v7, v6  }
0xa1: {  	v7 =	vperm.xlane v6, v4;
	_ =	sdelay $0x1  }
0xa2: {  	v6 =	vor.u32 v7, v6  }
0xa3: {  	v6 =	vshrl.u32 v6, v5  }
0xa4: {  	v6 =	vand.u32 $0x1, v6  }
0xa5: {  	v6 =	vcvt.s32.f32 v6;
	_ =	sdelay $0x1  }
0xa6: {  	(xrf2) =	vadd.scan.msk.f32 $0xffff, v6;
	_ =	sdelay $0x2  }
0xa7: {  	s16 =	simm.s32 $0x2020  }
0xa8: {  	v8 =	vld [tilespmem:s16+$0x10]  }
0xa9: {  	v7 =	vld [tilespmem:s16+$0xFFFFFFF0]  }
0xaa: {  	v9 =	vld [tilespmem:s16+$0xFFFFFFE0];
	_ =	sdelay $0x1  }
0xab: {  	v10 =	vld [tilespmem:s16+$0x0]  }
0xac: {  	s17 =	simm.s32 $0x2060  }
0xad: {  	v12 =	vld [tilespmem:s17+$0xFFFFFFF0];
	v8 =	vtrunc.f32 v8;
	v7 =	vtrunc.f32 v7;
	v11, _, _ =	vpop (xrf2)  }
0xae: {  	v9 =	vtrunc.f32 v9;
	v7 =	vcvt.f32.s32 v7;
	v6 =	vsub.f32 v11, v6  }
0xaf: {  	v13 =	vcvt.f32.s32 v8;
	v8 =	vld [tilespmem:s17+$0x10];
	v11 =	vcvt.f32.s32 v9  }
0xb0: {  	v15 =	vtrunc.f32 v10;
	v9 =	vld [tilespmem:s17+$0xFFFFFFE0];
	v14 =	vperm.xlane v6, v7  }
0xb1: {  	s16 =	simm.s32 $0x6020;
	v10 =	vperm.xlane v6, v11;
	v11 =	vperm.xlane v6, v13  }
0xb2: {  	s18 =	simm.s32 $0x4;
	s19 =	simm.s32 $0x20A0;
	v7 =	vld [tilespmem:s17+$0x0];
	v13 =	vtrunc.f32 v12;
	v12 =	vcvt.f32.s32 v15;
	s17 =	simm.s32 $0x6020;
	[tilespmem:s16+$0xFFFFFFF0] =	vst v14  }
.LBB2_8:
0xb3: {  	s18 =	sadd.s32 $0x4, s18  }
0xb4: {  	v14 =	vld [tilespmem:s19+$0xFFFFFFF0];
	v13 =	vcvt.f32.s32 v13;
	v15 =	vtrunc.f32 v8;
	[tilespmem:s16+$0x10] =	vst v11;
	s17 =	sadd.s32 $0x40, s17;
	p0 =	slt.u32 s18, $0x1FC  }
.Ltmp3:
0xb5: {  	v8 =	vld [tilespmem:s19+$0x10];
	v11 =	vtrunc.f32 v9;
	v12 =	vperm.xlane v6, v12;
	(pc) =	sbr.rel @p0 .LBB2_8-.Ltmp3, $4  }
0xb6: {  	v15 =	vcvt.f32.s32 v15;
	v9 =	vld [tilespmem:s19+$0xFFFFFFE0];
	v11 =	vcvt.f32.s32 v11;
	[tilespmem:s16+$0xFFFFFFE0] =	vst v10  }
0xb7: {  	v16 =	vperm.xlane v6, v13;
	v17 =	vtrunc.f32 v7;
	v7 =	vld [tilespmem:s19+$0x0];
	[tilespmem:s16+$0x0] =	vst v12;
	s16 =	smov.u32 s17  }
0xb8: {  	v10 =	vperm.xlane v6, v11;
	v11 =	vperm.xlane v6, v15  }
0xb9: {  	s19 =	sadd.s32 $0x40, s19;
	v12 =	vcvt.f32.s32 v17;
	v13 =	vtrunc.f32 v14;
	[tilespmem:s17+$0xFFFFFFF0] =	vst v16  }
0xba: {  	v13 =	vcvt.f32.s32 v13;
	v8 =	vtrunc.f32 v8  }
0xbb: {  	v9 =	vtrunc.f32 v9;
	v12 =	vperm.xlane v6, v12  }
0xbc: {  	[tilespmem:s16+$0x10] =	vst v11;
	v8 =	vcvt.f32.s32 v8;
	v9 =	vcvt.f32.s32 v9  }
0xbd: {  	[tilespmem:s16+$0xFFFFFFE0] =	vst v10;
	v63 =	vperm.xlane v6, v13;
	v7 =	vtrunc.f32 v7  }
0xbe: {  	s17 =	sadd.s32 $0x40, s17;
	[tilespmem:s16+$0x0] =	vst v12;
	v8 =	vperm.xlane v6, v8;
	v7 =	vcvt.f32.s32 v7  }
0xbf: {  	v9 =	vperm.xlane v6, v9;
	[tilespmem:s17+$0xFFFFFFF0] =	vst v63  }
0xc0: {  	[tilespmem:s17+$0x10] =	vst v8;
	v6 =	vperm.xlane v6, v7  }
0xc1: {  	[tilespmem:s17+$0xFFFFFFE0] =	vst v9  }
0xc2: {  	s15 =	sadd.s32 $0x1, s15;
	[tilespmem:s17+$0x0] =	vst v6  }
0xc3: {  	[hbm4b:s7+s1] =	stream.linear.scatter [tilespmem:s13], [sflag:$0x2], $0x2000, $0x38;
	[tilespmem:$0x8000] =	vst v63  }
0xc4: {  	p0 =	sne.s32 s15, s8;
	_ =	swait.ge [sflag:s14], $0x2000  }
.Ltmp4:
0xc5: {  	[sflag:s14] =	ssyncset.done $0x0;
	(pc) =	sbr.rel @p0 .LBB2_1-.Ltmp4, $4  }
0xc6: {  	[sflag:s14] =	ssyncadd.s32 $0xFFFFE000  }
0xc7: {  	_ =	swait.ge [sflag:s14], $0x2000  }
0xc8: {  	[sflag:s14] =	ssyncset.done $0x0  }
0xc9: {  	[sflag:s14] =	ssyncadd.s32 $0xFFFFE000  }
0xca: {  	_ =	sfence.sel $0x180000  }
0xcb: {  	[bflag:$0x0] =	sbarrier.arrive $0xFFFF  }
0xcc: {  	p0 =	sne.s32 s2, $0x0;
	_ =	strace $0x90000047  }
0xcd: {  	s0 =	sadd.s32 @!p0 $0x100000, s0;
	[bflag:$0x2] =	sbarrier.arrive $0xFFFF  }
0xce: {  	[sflag:s0] =	ssyncadd.tile.s32 @!p0 $0x1;
	_ =	shalt  }
.Lfunc_end2:
_tile_overlayer_lowered:
.L_overlay_start_2:
0xcf: {  	(tag) =	ssettag $0x2  }
0xd0: {  	s0 =	rddreg [dreg:$0x0];
	s2 =	stileid.u32  }
0xd1: {  	s1 =	rddreg [dreg:$0x1];
	p0 =	sne.s32 s2, $0x0  }
0xd2: {  	s3 =	rddreg [dreg:$0x2];
	[bflag:$0x3] =	sbarrier.arrive $0xFFFF;
	s2 =	simm.s32 @!p0 $0x1C03  }
0xd3: {  	[timem:s3], [sflag:s2] =	dma.local @!p0 [hbm:s0], s1  }
0xd4: {  	s0 =	simm.s32 @!p0 $0x3  }
0xd5: {  	_ =	swait.ge @!p0 [sflag:s0], s1  }
0xd6: {  	s1 =	ssub.s32 @!p0 $0x0, s1;
	[sflag:s0] =	ssyncset.done @!p0 $0x0  }
0xd7: {  	[sflag:s0] =	ssyncadd.s32 @!p0 s1  }
0xd8: {  	[bflag:$0x3] =	sbarrier.arrive $0xFFFF  }
0xd9: {  	_ =	shalt  }

</sc_bundles>
